<compile_context>
chip_gen: v7x
topology: tpu7x:2x2x1
jax: 0.10.2.dev20260603
libtpu: 0.0.44.dev20260713+nightly
codegen_flags: <defaults>
</compile_context>

<pallas_src>
import jax
import jax.numpy as jnp
from jax import lax
from jax.experimental import pallas as pl
from jax.experimental.pallas import tpu as pltpu

_B, _C, _R = 2, 96, 48
_S = 32 * 64 * 64
_CHA = 8192
_NCH = _S // _CHA
_CHB = 4096


def _mean_kernel(x_ref, part_ref):
    blk = x_ref[...]
    part_ref[...] = jnp.sum(blk, axis=1, keepdims=True).reshape(1, 1, 1, _C)


def _mlp_rank_onehot_kernel(part_ref, w1_ref, b1_ref, w2_ref, b2_ref, p_ref):
    part = part_ref[...].reshape(_B, _NCH, _C)
    y = jnp.sum(part, axis=1) * (1.0 / _S)
    z1 = lax.dot_general(y, w1_ref[...], (((1,), (1,)), ((), ())),
                         preferred_element_type=jnp.float32)
    z1 = z1 + b1_ref[...]
    z1 = jnp.where(z1 >= 0, z1, 0.01 * z1)
    z2 = lax.dot_general(z1, w2_ref[...], (((1,), (1,)), ((), ())),
                         preferred_element_type=jnp.float32)
    z2 = z2 + b2_ref[...]
    s = 1.0 / (1.0 + jnp.exp(-z2))

    for b in range(_B):
        vrow = s[b:b + 1, :]
        rmat = jnp.broadcast_to(vrow, (_C, _C))
        cmat = rmat.T
        irow = lax.broadcasted_iota(jnp.int32, (_C, _C), 0)
        jcol = lax.broadcasted_iota(jnp.int32, (_C, _C), 1)
        beforeT = (rmat > cmat) | ((rmat == cmat) & (jcol < irow))
        rank = jnp.sum(beforeT.astype(jnp.int32), axis=1,
                       keepdims=True)
        pio = lax.broadcasted_iota(jnp.int32, (_C, _R), 1)
        onehot = (jnp.broadcast_to(rank, (_C, _R)) == pio)
        p_ref[b] = onehot.astype(jnp.float32)


def _gather_mm_kernel(x_ref, p_ref, o_ref):
    x2 = x_ref[...].reshape(_CHB, _C)
    p2 = p_ref[...].reshape(_C, _R)
    o = lax.dot_general(x2, p2, (((1,), (0,)), ((), ())),
                        precision=lax.Precision.HIGHEST,
                        preferred_element_type=jnp.float32)
    o_ref[...] = o.reshape(1, _CHB, _R)


def kernel(x, w1, b1, w2, b2):
    b, c, d, h, w = x.shape
    xt = jnp.transpose(x, (0, 2, 3, 4, 1))
    xv = xt.reshape(_B, _S, _C)

    part = pl.pallas_call(
        _mean_kernel,
        grid=(_B, _NCH),
        in_specs=[pl.BlockSpec((1, _CHA, _C), lambda i, j: (i, j, 0))],
        out_specs=pl.BlockSpec((1, 1, 1, _C), lambda i, j: (i, j, 0, 0)),
        out_shape=jax.ShapeDtypeStruct((_B, _NCH, 1, _C), jnp.float32),
    )(xv)

    onehot = pl.pallas_call(
        _mlp_rank_onehot_kernel,
        in_specs=[
            pl.BlockSpec((_B, _NCH, 1, _C), lambda: (0, 0, 0, 0)),
            pl.BlockSpec((_C, _C), lambda: (0, 0)),
            pl.BlockSpec((1, _C), lambda: (0, 0)),
            pl.BlockSpec((_C, _C), lambda: (0, 0)),
            pl.BlockSpec((1, _C), lambda: (0, 0)),
        ],
        out_specs=pl.BlockSpec((_B, _C, _R), lambda: (0, 0, 0)),
        out_shape=jax.ShapeDtypeStruct((_B, _C, _R), jnp.float32),
    )(part, w1, b1.reshape(1, _C), w2, b2.reshape(1, _C))

    out_t = pl.pallas_call(
        _gather_mm_kernel,
        grid=(_B, _S // _CHB),
        in_specs=[
            pl.BlockSpec((1, _CHB, _C), lambda i, j: (i, j, 0)),
            pl.BlockSpec((1, _C, _R), lambda i, j: (i, 0, 0)),
        ],
        out_specs=pl.BlockSpec((1, _CHB, _R), lambda i, j: (i, j, 0)),
        out_shape=jax.ShapeDtypeStruct((_B, _S, _R), jnp.float32),
    )(xv, onehot)

    return out_t.reshape(b, d, h, w, _R).transpose(0, 4, 1, 2, 3)

# --- scband reference (transcript-rebuilt; emitter-appended) ---
"""Pipeline reference for scband-channel-selayer-36876589204141 (READ-ONLY COPY).

The authoritative reference and input builder live on the scoring server;
editing this copy changes nothing except your own understanding.
"""

import jax, jax.numpy as jnp
import numpy as np


def setup_inputs(seed: int = 0) -> dict:
    key = jax.random.key(seed)
    ks = jax.random.split(key, 5)
    b, c, d, h, w = 2, 96, 32, 64, 64
    x = jax.random.normal(ks[0], (b, c, d, h, w), dtype=jnp.float32)
    w1 = jax.random.normal(ks[1], (c, c), dtype=jnp.float32) * (1.0 / np.sqrt(c))
    b1 = jnp.zeros((c,), dtype=jnp.float32)
    w2 = jax.random.normal(ks[2], (c, c), dtype=jnp.float32) * (1.0 / np.sqrt(c))
    b2 = jnp.zeros((c,), dtype=jnp.float32)
    return {"x": x, "w1": w1, "b1": b1, "w2": w2, "b2": b2}


def reference(x, w1, b1, w2, b2):
    r = 48
    b, c = x.shape[:2]
    # adaptive avg pool to 1x1x1 == mean over spatial dims
    y = jnp.mean(x, axis=(2, 3, 4))  # [b, c]
    # fc: Linear -> LeakyReLU -> Linear -> Sigmoid (torch Linear: y @ W.T + b)
    y = jax.nn.leaky_relu(y @ w1.T + b1, negative_slope=0.01)
    y = jax.nn.sigmoid(y @ w2.T + b2)
    # top-k channel indices per batch element
    _, idx = jax.lax.top_k(y, r)  # [b, r]
    # gather the selected channels for each batch element
    sliced = jnp.take_along_axis(x, idx[:, :, None, None, None], axis=1)  # [b, r, D, H, W]
    return sliced

if __name__ == "__main__":
    import jax
    _d = setup_inputs()
    print(jax.jit(kernel)(*tuple(_d.values())))

</pallas_src>

<mosaic_0001>
module attributes {stable_mosaic.version = 14 : i64} {
  func.func @_mean_kernel(%arg0: i32, %arg1: i32, %arg2: memref<1x8192x96xf32, #tpu.memory_space<vmem>>, %arg3: memref<1x1x1x96xf32, #tpu.memory_space<vmem>>) attributes {dimension_semantics = [#tpu.dimension_semantics<arbitrary>, #tpu.dimension_semantics<arbitrary>], iteration_bounds = array<i64: 2, 16>, scalar_prefetch = 0 : i64, scratch_operands = 0 : i64, tpu.core_type = #tpu.core_type<tc>, window_params = [{transform_indices = @transform_0, window_bounds = array<i64: 1, 8192, 96>}, {transform_indices = @transform_1, window_bounds = array<i64: 1, 1, 1, 96>}]} {
    %get3A = arith.constant 0 : index
    %get3A_0 = arith.constant 0 : index
    %get3A_1 = arith.constant 0 : index
    %get3A_2 = vector.load %arg2[%get3A, %get3A_0, %get3A_1] : memref<1x8192x96xf32, #tpu.memory_space<vmem>>, vector<1x8192x96xf32>
    %reduce_sum3A = arith.constant dense<0.000000e+00> : vector<1x96xf32>
    %reduce_sum3A_3 = vector.multi_reduction <add>, %get3A_2, %reduce_sum3A [1] : vector<1x8192x96xf32> to vector<1x96xf32>
    %broadcast_in_dim3A = vector.shape_cast %reduce_sum3A_3 : vector<1x96xf32> to vector<1x1x96xf32>
    %reshape3A = vector.shape_cast %broadcast_in_dim3A : vector<1x1x96xf32> to vector<1x1x1x96xf32>
    %swap3A = arith.constant 0 : index
    %swap3A_4 = arith.constant 0 : index
    %swap3A_5 = arith.constant 0 : index
    %swap3A_6 = arith.constant 0 : index
    %swap3A_7 = vector.load %arg3[%swap3A, %swap3A_4, %swap3A_5, %swap3A_6] : memref<1x1x1x96xf32, #tpu.memory_space<vmem>>, vector<1x1x1x96xf32>
    tpu.vector_store %arg3[%swap3A, %swap3A_4, %swap3A_5, %swap3A_6], %reshape3A {strides = array<i32>} : memref<1x1x1x96xf32, #tpu.memory_space<vmem>>, vector<1x1x1x96xf32>,
    return
  }
  func.func @transform_0(%arg0: i32, %arg1: i32) -> (i32, i32, i32) {
    %c0_i32 = arith.constant 0 : i32
    %c0_i32_0 = arith.constant 0 : i32
    return %arg0, %arg1, %c0_i32 : i32, i32, i32
  }
  func.func @transform_1(%arg0: i32, %arg1: i32) -> (i32, i32, i32, i32) {
    %c0_i32 = arith.constant 0 : i32
    %c0_i32_0 = arith.constant 0 : i32
    %c0_i32_1 = arith.constant 0 : i32
    return %arg0, %arg1, %c0_i32, %c0_i32_0 : i32, i32, i32, i32
  }
}

module attributes {stable_mosaic.version = 14 : i64} {
  func.func @_gather_mm_kernel(%arg0: i32, %arg1: i32, %arg2: memref<1x4096x96xf32, #tpu.memory_space<vmem>>, %arg3: memref<1x96x48xf32, #tpu.memory_space<vmem>>, %arg4: memref<1x4096x48xf32, #tpu.memory_space<vmem>>) attributes {dimension_semantics = [#tpu.dimension_semantics<arbitrary>, #tpu.dimension_semantics<arbitrary>], iteration_bounds = array<i64: 2, 32>, scalar_prefetch = 0 : i64, scratch_operands = 0 : i64, tpu.core_type = #tpu.core_type<tc>, window_params = [{transform_indices = @transform_0, window_bounds = array<i64: 1, 4096, 96>}, {transform_indices = @transform_1, window_bounds = array<i64: 1, 96, 48>}, {transform_indices = @transform_2, window_bounds = array<i64: 1, 4096, 48>}]} {
    %get3A = arith.constant 0 : index
    %get3A_0 = arith.constant 0 : index
    %get3A_1 = arith.constant 0 : index
    %get3A_2 = vector.load %arg2[%get3A, %get3A_0, %get3A_1] : memref<1x4096x96xf32, #tpu.memory_space<vmem>>, vector<1x4096x96xf32>
    %reshape3A = vector.shape_cast %get3A_2 : vector<1x4096x96xf32> to vector<4096x96xf32>
    %get3A_3 = arith.constant 0 : index
    %get3A_4 = arith.constant 0 : index
    %get3A_5 = arith.constant 0 : index
    %get3A_6 = vector.load %arg3[%get3A_3, %get3A_4, %get3A_5] : memref<1x96x48xf32, #tpu.memory_space<vmem>>, vector<1x96x48xf32>
    %reshape3A_7 = vector.shape_cast %get3A_6 : vector<1x96x48xf32> to vector<96x48xf32>
    %dot_general3A = arith.constant dense<0.000000e+00> : vector<4096x48xf32>
    %dot_general3A_8 = tpu.matmul %reshape3A, %reshape3A_7, %dot_general3A {dimension_numbers = #tpu.dot_dimension_numbers<[1], [0], [0], [1], [0, 0, 1, 1], [], []>, precision = #tpu.contract_precision<fp32>, transpose_lhs_hint = false} : vector<4096x96xf32>, vector<96x48xf32>, vector<4096x48xf32> -> vector<4096x48xf32>
    %reshape3A_9 = vector.shape_cast %dot_general3A_8 : vector<4096x48xf32> to vector<1x4096x48xf32>
    %swap3A = arith.constant 0 : index
    %swap3A_10 = arith.constant 0 : index
    %swap3A_11 = arith.constant 0 : index
    %swap3A_12 = vector.load %arg4[%swap3A, %swap3A_10, %swap3A_11] : memref<1x4096x48xf32, #tpu.memory_space<vmem>>, vector<1x4096x48xf32>
    tpu.vector_store %arg4[%swap3A, %swap3A_10, %swap3A_11], %reshape3A_9 {strides = array<i32>} : memref<1x4096x48xf32, #tpu.memory_space<vmem>>, vector<1x4096x48xf32>,
    return
  }
  func.func @transform_0(%arg0: i32, %arg1: i32) -> (i32, i32, i32) {
    %c0_i32 = arith.constant 0 : i32
    %c0_i32_0 = arith.constant 0 : i32
    return %arg0, %arg1, %c0_i32 : i32, i32, i32
  }
  func.func @transform_1(%arg0: i32, %arg1: i32) -> (i32, i32, i32) {
    %c0_i32 = arith.constant 0 : i32
    %c0_i32_0 = arith.constant 0 : i32
    %c0_i32_1 = arith.constant 0 : i32
    return %arg0, %c0_i32, %c0_i32_0 : i32, i32, i32
  }
  func.func @transform_2(%arg0: i32, %arg1: i32) -> (i32, i32, i32) {
    %c0_i32 = arith.constant 0 : i32
    %c0_i32_0 = arith.constant 0 : i32
    return %arg0, %arg1, %c0_i32 : i32, i32, i32
  }
}

module attributes {stable_mosaic.version = 14 : i64} {
  func.func @_mlp_rank_onehot_kernel(%arg0: memref<2x16x1x96xf32, #tpu.memory_space<vmem>>, %arg1: memref<96x96xf32, #tpu.memory_space<vmem>>, %arg2: memref<1x96xf32, #tpu.memory_space<vmem>>, %arg3: memref<96x96xf32, #tpu.memory_space<vmem>>, %arg4: memref<1x96xf32, #tpu.memory_space<vmem>>, %arg5: memref<2x96x48xf32, #tpu.memory_space<vmem>>) attributes {dimension_semantics = [], scalar_prefetch = 0 : i64, scratch_operands = 0 : i64, tpu.core_type = #tpu.core_type<tc>} {
    %get3A = arith.constant 0 : index
    %get3A_0 = arith.constant 0 : index
    %get3A_1 = arith.constant 0 : index
    %get3A_2 = arith.constant 0 : index
    %get3A_3 = vector.load %arg0[%get3A, %get3A_0, %get3A_1, %get3A_2] : memref<2x16x1x96xf32, #tpu.memory_space<vmem>>, vector<2x16x1x96xf32>
    %reshape3A = vector.shape_cast %get3A_3 : vector<2x16x1x96xf32> to vector<2x16x96xf32>
    %reduce_sum3A = arith.constant dense<0.000000e+00> : vector<2x96xf32>
    %reduce_sum3A_4 = vector.multi_reduction <add>, %reshape3A, %reduce_sum3A [1] : vector<2x16x96xf32> to vector<2x96xf32>
    %mul3A = arith.constant 7.62939453E-6 : f32
    %mul3A_5 = vector.broadcast %mul3A : f32 to vector<2x96xf32>
    %mul3A_6 = arith.mulf %reduce_sum3A_4, %mul3A_5 : vector<2x96xf32>
    %get3A_7 = arith.constant 0 : index
    %get3A_8 = arith.constant 0 : index
    %get3A_9 = vector.load %arg1[%get3A_7, %get3A_8] : memref<96x96xf32, #tpu.memory_space<vmem>>, vector<96x96xf32>
    %dot_general3A = arith.constant dense<0.000000e+00> : vector<2x96xf32>
    %dot_general3A_10 = tpu.matmul %mul3A_6, %get3A_9, %dot_general3A {dimension_numbers = #tpu.dot_dimension_numbers<[1], [1], [0], [0], [0, 0, 1, 0], [], []>, transpose_lhs_hint = false} : vector<2x96xf32>, vector<96x96xf32>, vector<2x96xf32> -> vector<2x96xf32>
    %get3A_11 = arith.constant 0 : index
    %get3A_12 = arith.constant 0 : index
    %get3A_13 = vector.load %arg2[%get3A_11, %get3A_12] : memref<1x96xf32, #tpu.memory_space<vmem>>, vector<1x96xf32>
    %add3A = vector.broadcast %get3A_13 : vector<1x96xf32> to vector<2x96xf32>
    %add3A_14 = arith.addf %dot_general3A_10, %add3A : vector<2x96xf32>
    %ge3A = arith.constant 0.000000e+00 : f32
    %ge3A_15 = vector.broadcast %ge3A : f32 to vector<2x96xf32>
    %ge3A_16 = arith.cmpf oge, %add3A_14, %ge3A_15 : vector<2x96xf32>
    %mul3A_17 = arith.constant 0.00999999977 : f32
    %mul3A_18 = vector.broadcast %mul3A_17 : f32 to vector<2x96xf32>
    %mul3A_19 = arith.mulf %mul3A_18, %add3A_14 : vector<2x96xf32>
    %select_n3A = arith.select %ge3A_16, %add3A_14, %mul3A_19 : vector<2x96xi1>, vector<2x96xf32>
    %get3A_20 = arith.constant 0 : index
    %get3A_21 = arith.constant 0 : index
    %get3A_22 = vector.load %arg3[%get3A_20, %get3A_21] : memref<96x96xf32, #tpu.memory_space<vmem>>, vector<96x96xf32>
    %dot_general3A_23 = arith.constant dense<0.000000e+00> : vector<2x96xf32>
    %dot_general3A_24 = tpu.matmul %select_n3A, %get3A_22, %dot_general3A_23 {dimension_numbers = #tpu.dot_dimension_numbers<[1], [1], [0], [0], [0, 0, 1, 0], [], []>, transpose_lhs_hint = false} : vector<2x96xf32>, vector<96x96xf32>, vector<2x96xf32> -> vector<2x96xf32>
    %get3A_25 = arith.constant 0 : index
    %get3A_26 = arith.constant 0 : index
    %get3A_27 = vector.load %arg4[%get3A_25, %get3A_26] : memref<1x96xf32, #tpu.memory_space<vmem>>, vector<1x96xf32>
    %add3A_28 = vector.broadcast %get3A_27 : vector<1x96xf32> to vector<2x96xf32>
    %add3A_29 = arith.addf %dot_general3A_24, %add3A_28 : vector<2x96xf32>
    %neg3A = arith.constant 0.000000e+00 : f32
    %neg3A_30 = vector.broadcast %neg3A : f32 to vector<2x96xf32>
    %neg3A_31 = arith.subf %neg3A_30, %add3A_29 : vector<2x96xf32>
    %exp3A = math.exp %neg3A_31 : vector<2x96xf32>
    %add3A_32 = arith.constant 1.000000e+00 : f32
    %add3A_33 = vector.broadcast %add3A_32 : f32 to vector<2x96xf32>
    %add3A_34 = arith.addf %add3A_33, %exp3A : vector<2x96xf32>
    %div3A = arith.constant 1.000000e+00 : f32
    %div3A_35 = vector.broadcast %div3A : f32 to vector<2x96xf32>
    %div3A_36 = arith.divf %div3A_35, %add3A_34 : vector<2x96xf32>
    %slice3A = vector.extract_strided_slice %div3A_36 {offsets = [0, 0], sizes = [1, 96], strides = [1, 1]} : vector<2x96xf32> to vector<1x96xf32>
    %broadcast_in_dim3A = vector.shape_cast %slice3A : vector<1x96xf32> to vector<1x96xf32>
    %broadcast_in_dim3A_37 = vector.broadcast %broadcast_in_dim3A : vector<1x96xf32> to vector<96x96xf32>
    %transpose3A = tpu.transpose %broadcast_in_dim3A_37, [1, 0] : vector<96x96xf32> -> vector<96x96xf32>
    %iota3A = tpu.iota {dimensions = array<i32: 0>} : vector<96x96xi32>
    %iota3A_38 = tpu.iota {dimensions = array<i32: 1>} : vector<96x96xi32>
    %gt3A = arith.cmpf ogt, %broadcast_in_dim3A_37, %transpose3A : vector<96x96xf32>
    %eq3A = arith.cmpf oeq, %broadcast_in_dim3A_37, %transpose3A : vector<96x96xf32>
    %lt3A = arith.cmpi slt, %iota3A_38, %iota3A : vector<96x96xi32>
    %and3A = arith.andi %eq3A, %lt3A : vector<96x96xi1>
    %or3A = arith.ori %gt3A, %and3A : vector<96x96xi1>
    %convert_element_type3A = arith.extui %or3A : vector<96x96xi1> to vector<96x96xi32>
    %reduce_sum3A_39 = arith.constant dense<0> : vector<96xi32>
    %reduce_sum3A_40 = vector.multi_reduction <add>, %convert_element_type3A, %reduce_sum3A_39 [1] : vector<96x96xi32> to vector<96xi32>
    %broadcast_in_dim3A_41 = vector.shape_cast %reduce_sum3A_40 : vector<96xi32> to vector<96x1xi32>
    %iota3A_42 = tpu.iota {dimensions = array<i32: 1>} : vector<96x48xi32>
    %broadcast_in_dim3A_43 = vector.shape_cast %broadcast_in_dim3A_41 : vector<96x1xi32> to vector<96x1xi32>
    %broadcast_in_dim3A_44 = vector.broadcast %broadcast_in_dim3A_43 : vector<96x1xi32> to vector<96x48xi32>
    %eq3A_45 = arith.cmpi eq, %broadcast_in_dim3A_44, %iota3A_42 : vector<96x48xi32>
    %convert_element_type3A_46 = arith.extui %eq3A_45 : vector<96x48xi1> to vector<96x48xi32>
    %convert_element_type3A_47 = arith.sitofp %convert_element_type3A_46 : vector<96x48xi32> to vector<96x48xf32>
    %swap3A = arith.constant 0 : index
    %swap3A_48 = arith.constant 0 : index
    %swap3A_49 = arith.constant 0 : index
    %swap3A_50 = vector.load %arg5[%swap3A, %swap3A_48, %swap3A_49] : memref<2x96x48xf32, #tpu.memory_space<vmem>>, vector<1x96x48xf32>
    %swap3A_51 = vector.shape_cast %swap3A_50 : vector<1x96x48xf32> to vector<96x48xf32>
    %swap3A_52 = vector.shape_cast %convert_element_type3A_47 : vector<96x48xf32> to vector<1x96x48xf32>
    tpu.vector_store %arg5[%swap3A, %swap3A_48, %swap3A_49], %swap3A_52 {strides = array<i32>} : memref<2x96x48xf32, #tpu.memory_space<vmem>>, vector<1x96x48xf32>,
    %slice3A_53 = vector.extract_strided_slice %div3A_36 {offsets = [1, 0], sizes = [1, 96], strides = [1, 1]} : vector<2x96xf32> to vector<1x96xf32>
    %broadcast_in_dim3A_54 = vector.shape_cast %slice3A_53 : vector<1x96xf32> to vector<1x96xf32>
    %broadcast_in_dim3A_55 = vector.broadcast %broadcast_in_dim3A_54 : vector<1x96xf32> to vector<96x96xf32>
    %transpose3A_56 = tpu.transpose %broadcast_in_dim3A_55, [1, 0] : vector<96x96xf32> -> vector<96x96xf32>
    %iota3A_57 = tpu.iota {dimensions = array<i32: 0>} : vector<96x96xi32>
    %iota3A_58 = tpu.iota {dimensions = array<i32: 1>} : vector<96x96xi32>
    %gt3A_59 = arith.cmpf ogt, %broadcast_in_dim3A_55, %transpose3A_56 : vector<96x96xf32>
    %eq3A_60 = arith.cmpf oeq, %broadcast_in_dim3A_55, %transpose3A_56 : vector<96x96xf32>
    %lt3A_61 = arith.cmpi slt, %iota3A_58, %iota3A_57 : vector<96x96xi32>
    %and3A_62 = arith.andi %eq3A_60, %lt3A_61 : vector<96x96xi1>
    %or3A_63 = arith.ori %gt3A_59, %and3A_62 : vector<96x96xi1>
    %convert_element_type3A_64 = arith.extui %or3A_63 : vector<96x96xi1> to vector<96x96xi32>
    %reduce_sum3A_65 = arith.constant dense<0> : vector<96xi32>
    %reduce_sum3A_66 = vector.multi_reduction <add>, %convert_element_type3A_64, %reduce_sum3A_65 [1] : vector<96x96xi32> to vector<96xi32>
    %broadcast_in_dim3A_67 = vector.shape_cast %reduce_sum3A_66 : vector<96xi32> to vector<96x1xi32>
    %iota3A_68 = tpu.iota {dimensions = array<i32: 1>} : vector<96x48xi32>
    %broadcast_in_dim3A_69 = vector.shape_cast %broadcast_in_dim3A_67 : vector<96x1xi32> to vector<96x1xi32>
    %broadcast_in_dim3A_70 = vector.broadcast %broadcast_in_dim3A_69 : vector<96x1xi32> to vector<96x48xi32>
    %eq3A_71 = arith.cmpi eq, %broadcast_in_dim3A_70, %iota3A_68 : vector<96x48xi32>
    %convert_element_type3A_72 = arith.extui %eq3A_71 : vector<96x48xi1> to vector<96x48xi32>
    %convert_element_type3A_73 = arith.sitofp %convert_element_type3A_72 : vector<96x48xi32> to vector<96x48xf32>
    %swap3A_74 = arith.constant 1 : index
    %swap3A_75 = arith.constant 0 : index
    %swap3A_76 = arith.constant 0 : index
    %swap3A_77 = vector.load %arg5[%swap3A_74, %swap3A_75, %swap3A_76] : memref<2x96x48xf32, #tpu.memory_space<vmem>>, vector<1x96x48xf32>
    %swap3A_78 = vector.shape_cast %swap3A_77 : vector<1x96x48xf32> to vector<96x48xf32>
    %swap3A_79 = vector.shape_cast %convert_element_type3A_73 : vector<96x48xf32> to vector<1x96x48xf32>
    tpu.vector_store %arg5[%swap3A_74, %swap3A_75, %swap3A_76], %swap3A_79 {strides = array<i32>} : memref<2x96x48xf32, #tpu.memory_space<vmem>>, vector<1x96x48xf32>,
    return
  }
}

</mosaic_0001>

<sc_bundles>
// kernel: sparse-core-data-format-call.cloned.1.call-start
scs
called_computation_lowered:
.L_overlay_start_0:
0x0: {  	s2 =	sld [smem:$0x3FD9]  }
0x1: {  	s3 =	sld [smem:$0x3FFE];
	_ =	sdelay $0x1  }
0x2: {  	s1 =	srdreg.scid  }
0x3: {  	s0 =	sand.u32 $0x1, s1  }
0x4: {  	s18 =	sshll.u32 s0, $0xA;
	s2 =	sadd.s32 s3, s2  }
0x5: {  	s2 =	sadd.s32 s2, s18  }
0x6: {  	[smem:$0x3FC3] =	sst s2  }
0x7: {  	_ = 	snop  }
0x8: {  	s2 =	sld [smem:$0x3FD0];
	(tm) =	ssettm $0x1  }
0x9: {  	s19 =	sld [smem:$0x3FFB];
	_ =	sdelay $0x3  }
0xa: {  	_ =	strace s19  }
0xb: {  	s3 =	sld [smem:$0x3FFC];
	_ =	sdelay $0x3  }
0xc: {  	_ =	strace s3  }
0xd: {  	s3 =	sld [smem:$0x3FFD];
	_ =	sdelay $0x3  }
0xe: {  	_ =	strace s3  }
0xf: {  	_ =	strace $0x8FFFFFFF  }
0x10: {  	s20 =	sld [smem:$0x3FDB];
	_ =	sdelay $0x1  }
0x11: {  	s4 =	simm.s32 $_scs_section_size  }
0x12: {  	s5 =	simm.s32 $_size__tile_overlayer_lowered;
	s6 =	simm.s32 $_tile_overlayer_lowered  }
0x13: {  	s23 =	simm.s32 $0x1BFF;
	s22 =	sshll.u32 s6, $0x1;
	s3 =	sadd.s32 s4, s20  }
0x14: {  	s7 =	simm.s32 $0x0;
	s21 =	sshll.u32 s5, $0x1;
	s5 =	sadd.s32 s22, s3  }
0x15: {  	[timem:s7], [sflag:s23] =	dma.local [hbm:s5], s21  }
0x16: {  	_ =	swait.ge [sflag:s23], s21  }
0x17: {  	s4 =	ssub.s32 $0x0, s21;
	[sflag:s23] =	ssyncset.done $0x0  }
0x18: {  	[sflag:s23] =	ssyncadd.s32 s4;
	_ =	sdelay $0x1  }
0x19: {  	s24 =	simm.s32 $0x1B8B  }
0x1a: {  	_ =	swait.ge [sflag:s24], $0x1  }
0x1b: {  	[sflag:s24] =	ssyncset.done $0x0  }
0x1c: {  	s26 =	simm.s32 $0x1B8E;
	s25 =	sld [smem:$0x3FFE];
	[sflag:s24] =	ssyncadd.s32 $0xFFFFFFFF  }
0x1d: {  	s27 =	simm.s32 $execute0_lowered;
	[smem:$0x3FD2] =	sst s26  }
0x1e: {  	s5 =	sshll.u32 s27, $0x1;
	_ =	strace $0x80000046;
	[dreg:$0x1] =	wrdreg $0xFFFFFFFF  }
0x1f: {  	s28 =	simm.s32 $_size_execute0_lowered;
	s3 =	sadd.s32 s3, s5;
	[dreg:$0x0] =	wrdreg $0x0  }
0x20: {  	s5 =	sshll.u32 s28, $0x1;
	[dreg:$0x2] =	wrdreg s3  }
0x21: {  	[dreg:$0x3] =	wrdreg s5  }
0x22: {  	[dreg:$0x4] =	wrdreg $0xC0  }
0x23: {  	_ =	task [dreg:s7], $0x5FFFF  }
0x24: {  	[dreg:$0x1] =	wrdreg $0xFFFFFFFF  }
0x25: {  	[dreg:$0x0] =	wrdreg $0x60  }
0x26: {  	[dreg:$0x2] =	wrdreg s25  }
0x27: {  	[dreg:$0x3] =	wrdreg s2  }
0x28: {  	[dreg:$0x4] =	wrdreg $0x9  }
0x29: {  	_ =	task.clear_ibuf [dreg:s7], $0x5FFFF;
	_ =	strace $0x90000046  }
0x2a: {  	s29 =	simm.s32 $0x9;
	_ =	strace $0x80000048  }
0x2b: {  	_ =	swait.ge [sflag:s29], $0x1  }
0x2c: {  	[sflag:s29] =	ssyncadd.s32 $0xFFFFFFFF  }
0x2d: {  	_ =	strace $0x90000048  }
0x2e: {  	_ =	sfence  }
0x2f: {  	s30 =	sld [smem:$0x0];
	_ =	sdelay $0x2  }
0x30: {  	s31 =	sshll.u32 s1, $0xD;
	s1 =	sshrl.u32 s1, $0x2  }
0x31: {  	s3 =	sand.u32 $0x4000, s31;
	s1 =	sadd.s32 s1, s30  }
0x32: {  	s0 =	sor.u32 s3, s0;
	s1 =	sshll.u32 s1, $0x11  }
0x33: {  	s0 =	sor.u32 s1, s0  }
0x34: {  	s0 =	sadd.s32 $0x8F2B, s0  }
0x35: {  	[sflag:s0] =	ssyncadd.remote.s32 $0x1  }
0x36: {  	_ =	sfence.sel $0xFFFF  }
0x37: {  	[dreg:$0x0] =	wrdreg $0xFFFFFFFF;
	(pc) =	sbr.abs _section_cstart, $3  }
0x38: {  	[dreg:$0x1] =	wrdreg $0xFFFFFFFF  }
0x39: {  	_ =	task.clear_ibuf [dreg:s7], $0x2FFFF;
	_ =	strace $0x9FFFFFFF  }
0x3a: {  	(tm) =	ssettm $0x7FFFFFFF  }
0x3b: {  	_ =	shalt  }
tec
execute0_lowered:
.L_overlay_start_1:
0x0: {  	(tag) =	ssettag $0x1  }
0x1: {  	s0 =	rddreg [dreg:$0x0]  }
0x2: {  	s6 =	stileid.u32;
	s8 =	rddreg [dreg:$0x1]  }
0x3: {  	s1 =	srdreg.scid;
	_ =	strace $0x80000047;
	s19 =	sadd.s32 $0x8000, s8  }
0x4: {  	s18 =	simm.s32 $0x2;
	s20 =	sadd.s32 $0x10000, s8;
	[dreg:$0x3] =	wrdreg s19  }
0x5: {  	p0 =	por $0x0, $0x0;
	s21 =	sadd.s32 $0x18000, s8;
	[dreg:$0x4] =	wrdreg s20  }
0x6: {  	s9 =	simm.s32 $0x0;
	s22 =	sadd.s32 $0x20000, s8;
	[dreg:$0x5] =	wrdreg s21  }
0x7: {  	s27 =	simm.s32 $0x0;
	s23 =	sadd.s32 $0x28000, s8;
	[dreg:$0x6] =	wrdreg s22  }
0x8: {  	s30 =	simm.s32 $0x0;
	s24 =	sadd.s32 $0x30000, s8;
	[dreg:$0x7] =	wrdreg s23  }
0x9: {  	s3 =	sand.u32 $0x1, s6;
	s25 =	sadd.s32 $0x38000, s8;
	[dreg:$0x8] =	wrdreg s24  }
0xa: {  	s1 =	sshll.u32 s1, $0x4;
	s26 =	sadd.s32 $0x40000, s8;
	[dreg:$0x9] =	wrdreg s25  }
0xb: {  	s4 =	sadd.s32 $0xC00, s0;
	s31 =	sadd.s32 $0x48000, s8;
	[dreg:$0xa] =	wrdreg s26  }
0xc: {  	s2 =	ssub.s32 $0x2, s3;
	s16 =	sand.u32 $0x10, s1;
	[dreg:$0xb] =	wrdreg s31  }
0xd: {  	s19 =	sadd.s32 $0x60000, s8;
	s20 =	sadd.s32 $0x68000, s8;
	s21 =	sadd.s32 $0x70000, s8  }
0xe: {  	s22 =	sadd.s32 $0x78000, s8;
	s24 =	simm.s32 $0x80;
	s26 =	simm.s32 $0x0  }
0xf: {  	s25 =	simm.s32 $0x0;
	s29 =	smov.u32 s3;
	s5 =	sshll.u32 s2, $0x1  }
0x10: {  	s0 =	sor.u32 s6, s16;
	s17 =	sand.u32 $0x2, s5;
	s5 =	simm.s32 $0x1  }
.Ltmp0:
0x11: {  	s6 =	sshrl.u32 s0, $0x1;
	s1 =	sadd.s32 s2, s17;
	(pc) =	sbr.rel .LBB1_1-.Ltmp0, $4  }
0x12: {  	s0 =	simm.s32 $0x0;
	[sflag:s5] =	ssyncpa.u1 $0x0;
	s1 =	sand.u32 $0x6, s1  }
0x13: {  	s17 =	sadd.s32 $0x50000, s8;
	s2 =	simm.s32 $0x0;
	s7 =	smul.u32 $0xC, s1  }
0x14: {  	s28 =	smov.u32 s6;
	[sflag:s18] =	ssyncpa.u1 $0x0;
	s18 =	sadd.s32 $0x58000, s8  }
0x15: {  	s8 =	simm.s32 $0x0;
	s1 =	simm.s32 $0x0;
	s23 =	sor.u32 $0x1, s7  }
.LBB1_7:
0x16: {  	s10 =	sadd.s32 $0x10, s25  }
0x17: {  	s0 =	sadd.s32 $0x40, s1;
	s11 =	smov.u32 s1;
	p2 =	sgt.s32 s10, $0x2F  }
0x18: {  	s11 =	smov.u32 @p2 s0  }
0x19: {  	s12 =	smov.u32 s27;
	s0 =	sadd.s32 $0x10, s27;
	p3 =	sgt.s32 s11, $0x3F  }
0x1a: {  	s12 =	smov.u32 @p3 s0  }
0x1b: {  	s13 =	smov.u32 s28;
	s0 =	sadd.s32 $0x10, s28;
	p4 =	sgt.s32 s12, $0x3F  }
0x1c: {  	p1 =	slt.u32 s30, $0x2;
	s14 =	smov.u32 s29;
	s13 =	smov.u32 @p4 s0  }
0x1d: {  	s26 =	smov.u32 s1;
	s0 =	sadd.s32 $0x2, s29;
	p5 =	sgt.s32 s13, $0x1F  }
0x1e: {  	s9 =	smov.u32 s27;
	s2 =	smov.u32 s28;
	s14 =	smov.u32 @p5 s0  }
0x1f: {  	s8 =	smov.u32 s29;
	s10 =	simm.s32 @p2 $0x0;
	p2 =	sgt.s32 s14, $0x1  }
0x20: {  	s15 =	simm.s32 @!p1 $0x2;
	s14 =	smov.u32 @p2 s3;
	p2 =	sne.s32 s30, s23  }
.Ltmp1:
0x21: {  	p0 =	por !p0, !p0;
	_ =	swait.ge @!p1 [sflag:s15], $0x4000;
	(pc) =	sbr.rel @!p2 .LBB1_8-.Ltmp1, $4  }
0x22: {  	[sflag:s15] =	ssyncset.done @!p1 $0x0;
	s11 =	simm.s32 @p3 $0x0;
	s12 =	simm.s32 @p4 $0x0  }
0x23: {  	[sflag:s15] =	ssyncadd.s32 @!p1 $0xFFFFC000;
	s1 =	smov.u32 s11;
	s27 =	smov.u32 s12  }
0x24: {  	s13 =	smov.u32 @p5 s6;
	s0 =	smov.u32 s25;
	s25 =	smov.u32 s10  }
0x25: {  	s28 =	smov.u32 s13;
	s30 =	sadd.s32 $0x1, s30;
	s29 =	smov.u32 s14  }
.LBB1_1:
0x26: {  	p1 =	sge.u32 s30, s7  }
0x27: {  	s31 =	sadd.s32 $0xFFFFFFFF, s30;
	s10 =	sshll.u32 @!p1 s1, $0x7;
	s11 =	sshll.u32 @!p1 s25, $0x3  }
0x28: {  	s12 =	sxor.u32 @!p1 $0xFFFFFFFF, s30;
	s13 =	sand.u32 @!p1 $0x1C00, s10;
	s11 =	sand.u32 @!p1 $0x1C00, s11  }
0x29: {  	s14 =	sshll.u32 @!p1 s27, $0xA;
	s10 =	sand.u32 @!p1 $0x380, s10;
	s11 =	sadd.s32 @!p1 s13, s11  }
0x2a: {  	s15 =	sshrl.u32 @!p1 s25, $0x3;
	s10 =	sor.u32 @!p1 s10, s11;
	s11 =	sshll.u32 @!p1 s29, $0x15  }
0x2b: {  	s12 =	sshll.u32 @!p1 s12, $0xE;
	s13 =	sshll.u32 @!p1 s28, $0x10;
	s11 =	sadd.s32 @!p1 s4, s11  }
0x2c: {  	s12 =	sand.u32 @!p1 $0x4000, s12;
	s10 =	sshrl.u32 @!p1 s10, $0x3;
	s11 =	sadd.s32 @!p1 s13, s11  }
0x2d: {  	s13 =	sand.u32 @!p1 $0xF, s15;
	s11 =	sadd.s32 @!p1 s14, s11;
	s14 =	sand.u32 @!p1 $0x7, s25  }
0x2e: {  	s10 =	sand.u32 @!p1 $0x3F0, s10;
	s11 =	sadd.s32 @!p1 s13, s11;
	s13 =	sshll.u32 @!p1 s14, $0x12  }
0x2f: {  	s10 =	sadd.s32 @!p1 s10, s11;
	s11 =	sor.u32 @!p1 $0x10, s13;
	s13 =	simm.s32 @!p1 $0x80  }
0x30: {  	[tilespmem:s12], [sflag:$0x1] =	stream.strided.gather @!p1 [hbm4b:s10+s11], $0x4000, s13, s11, $0x38;
	[tilespmem:$0x10200] =	vst v63  }
0x31: {  	p1 =	sge.u32 s31, s7  }
.Ltmp2:
0x32: {  	_ = 	snop;
	(pc) =	sbr.rel @p1 .LBB1_7-.Ltmp2, $1  }
0x33: {  	_ =	sdelay $0x3  }
0x34: {  	s10 =	simm.s32 $0x1;
	s12 =	sand.u32 $0x1, s30  }
0x35: {  	_ =	swait.ge [sflag:s5], $0x4000;
	s10 =	simm.s32 @!p0 $0x0;
	s13 =	smul.u32 $0x10400, s12  }
0x36: {  	[sflag:s5] =	ssyncset.done $0x0;
	s11 =	smul.u32 $0x10400, s10  }
0x37: {  	s10 =	sshll.u32 s10, $0xE;
	[sflag:s5] =	ssyncadd.s32 $0xFFFFC000  }
0x38: {  	s12 =	sor.u32 $0x40, s10;
	s31 =	sshrl.u32 s13, $0x2;
	s11 =	sshrl.u32 s11, $0x2  }
0x39: {  	s13 =	simm.s32 $0x0;
	s14 =	sor.u32 $0x8007, s11;
	s11 =	sor.u32 $0x8000, s31  }
.LBB1_3:
0x3a: {  	v3 =	vld [tilespmem:s12+$0x30]  }
0x3b: {  	v4 =	vld [tilespmem:s12+$0xFFFFFFD0]  }
0x3c: {  	v5 =	vld [tilespmem:s12+$0xFFFFFFE0]  }
0x3d: {  	v1 =	vld [tilespmem:s12+$0xFFFFFFF0]  }
0x3e: {  	v0 =	vld [tilespmem:s12+$0x0]  }
0x3f: {  	v2 =	vld [tilespmem:s12+$0x10];
	[tilespmem:s14+$0x0 ss:$0x410] =	vst.msk $0xffff, v3  }
0x40: {  	[tilespmem:s14+$0xFFFFFFFA ss:$0x410] =	vst.msk $0xffff, v4;
	v4 =	vld [tilespmem:s12+$0x20]  }
0x41: {  	s15 =	simm.s32 $0x0;
	s16 =	sadd.s32 $0x80, s12;
	s10 =	smov.u32 s14;
	v3 =	vld [tilespmem:s12+$0xFFFFFFC0];
	[tilespmem:s14+$0xFFFFFFFB ss:$0x410] =	vst.msk $0xffff, v5  }
.LBB1_4:
0x42: {  	v5 =	vld [tilespmem:s16+$0x30];
	s15 =	sadd.s32 $0x8, s15;
	[tilespmem:s10+$0xFFFFFFFC ss:$0x410] =	vst.msk $0xffff, v1  }
0x43: {  	v6 =	vld [tilespmem:s16+$0xFFFFFFD0];
	p1 =	slt.u32 s15, $0x38;
	[tilespmem:s10+$0xFFFFFFFD ss:$0x410] =	vst.msk $0xffff, v0  }
0x44: {  	v7 =	vld [tilespmem:s16+$0xFFFFFFE0];
	[tilespmem:s10+$0xFFFFFFFE ss:$0x410] =	vst.msk $0xffff, v2  }
.Ltmp3:
0x45: {  	v1 =	vld [tilespmem:s16+$0xFFFFFFF0];
	[tilespmem:s10+$0xFFFFFFFF ss:$0x410] =	vst.msk $0xffff, v4;
	(pc) =	sbr.rel @p1 .LBB1_4-.Ltmp3, $4  }
0x46: {  	v0 =	vld [tilespmem:s16+$0x0];
	[tilespmem:s10+$0xFFFFFFF9 ss:$0x410] =	vst.msk $0xffff, v3;
	s10 =	sadd.s32 $0x8, s10  }
0x47: {  	v2 =	vld [tilespmem:s16+$0x10];
	[tilespmem:s10+$0x0 ss:$0x410] =	vst.msk $0xffff, v5  }
0x48: {  	[tilespmem:s10+$0xFFFFFFFA ss:$0x410] =	vst.msk $0xffff, v6;
	v4 =	vld [tilespmem:s16+$0x20]  }
0x49: {  	v3 =	vld [tilespmem:s16+$0xFFFFFFC0];
	[tilespmem:s10+$0xFFFFFFFB ss:$0x410] =	vst.msk $0xffff, v7;
	s16 =	sadd.s32 $0x80, s16  }
0x4a: {  	s13 =	sadd.s32 $0x1, s13  }
0x4b: {  	p1 =	sne.s32 s13, $0x10  }
.Ltmp4:
0x4c: {  	[tilespmem:s10+$0xFFFFFFFC ss:$0x410] =	vst.msk $0xffff, v1;
	(pc) =	sbr.rel @p1 .LBB1_3-.Ltmp4, $4  }
0x4d: {  	[tilespmem:s10+$0xFFFFFFFD ss:$0x410] =	vst.msk $0xffff, v0  }
0x4e: {  	[tilespmem:s10+$0xFFFFFFFE ss:$0x410] =	vst.msk $0xffff, v2  }
0x4f: {  	[tilespmem:s10+$0xFFFFFFFF ss:$0x410] =	vst.msk $0xffff, v4  }
0x50: {  	s14 =	sadd.s32 $0x41, s14;
	s12 =	sadd.s32 $0x400, s12;
	[tilespmem:s10+$0xFFFFFFF9 ss:$0x410] =	vst.msk $0xffff, v3  }
0x51: {  	s9 =	sshll.u32 s9, $0x7;
	s10 =	sshll.u32 s26, $0x3;
	s8 =	smul.u32 $0x180000, s8  }
0x52: {  	s2 =	sshll.u32 s2, $0xA;
	s0 =	sshll.u32 s0, $0xF;
	s14 =	sshrl.u32 s26, $0x3  }
0x53: {  	s13 =	rddreg [dreg:$0x1];
	s12 =	sand.u32 $0x1C00, s9;
	s10 =	sand.u32 $0x1C00, s10  }
0x54: {  	s9 =	sand.u32 $0x380, s9;
	s10 =	sadd.s32 s12, s10;
	s12 =	sadd.s32 s8, s2  }
0x55: {  	s16 =	sand.u32 $0x7, s26;
	s9 =	sor.u32 s9, s10;
	s13 =	sadd.s32 s13, s12  }
0x56: {  	s10 =	sshrl.u32 s9, $0x3;
	s9 =	sand.u32 $0xF, s14;
	s15 =	sadd.s32 s0, s13  }
0x57: {  	s26 =	sand.u32 $0x3F0, s10;
	s14 =	sadd.s32 s9, s15;
	s15 =	sshll.u32 s16, $0x12  }
0x58: {  	s13 =	rddreg [dreg:$0x3];
	s16 =	sadd.s32 s26, s14;
	s10 =	sor.u32 $0x40, s15  }
0x59: {  	[hbm4b:s16+s10] =	stream.strided.scatter [tilespmem:s11], [sflag:$0x2], $0x400, s24, s10, $0x18;
	[tilespmem:$0x10200] =	vst v63  }
0x5a: {  	s11 =	sadd.s32 s8, s13  }
0x5b: {  	s11 =	sadd.s32 s2, s11  }
0x5c: {  	s11 =	sadd.s32 s0, s11  }
0x5d: {  	s11 =	sadd.s32 s9, s11  }
0x5e: {  	s14 =	sadd.s32 $0x8410, s31;
	s15 =	rddreg [dreg:$0x4];
	s11 =	sadd.s32 s26, s11  }
0x5f: {  	[hbm4b:s11+s10] =	stream.strided.scatter [tilespmem:s14], [sflag:$0x2], $0x400, s24, s10, $0x18;
	[tilespmem:$0x10200] =	vst v63  }
0x60: {  	s11 =	sadd.s32 s8, s15  }
0x61: {  	s11 =	sadd.s32 s2, s11  }
0x62: {  	s11 =	sadd.s32 s0, s11  }
0x63: {  	s11 =	sadd.s32 s9, s11  }
0x64: {  	s16 =	sadd.s32 $0x8820, s31;
	s13 =	rddreg [dreg:$0x5];
	s11 =	sadd.s32 s26, s11  }
0x65: {  	[hbm4b:s11+s10] =	stream.strided.scatter [tilespmem:s16], [sflag:$0x2], $0x400, s24, s10, $0x18;
	[tilespmem:$0x10200] =	vst v63  }
0x66: {  	s11 =	sadd.s32 s8, s13  }
0x67: {  	s11 =	sadd.s32 s2, s11  }
0x68: {  	s11 =	sadd.s32 s0, s11  }
0x69: {  	s11 =	sadd.s32 s9, s11  }
0x6a: {  	s14 =	sadd.s32 $0x8C30, s31;
	s15 =	rddreg [dreg:$0x6];
	s11 =	sadd.s32 s26, s11  }
0x6b: {  	[hbm4b:s11+s10] =	stream.strided.scatter [tilespmem:s14], [sflag:$0x2], $0x400, s24, s10, $0x18;
	[tilespmem:$0x10200] =	vst v63  }
0x6c: {  	s11 =	sadd.s32 s8, s15  }
0x6d: {  	s11 =	sadd.s32 s2, s11  }
0x6e: {  	s11 =	sadd.s32 s0, s11  }
0x6f: {  	s11 =	sadd.s32 s9, s11  }
0x70: {  	s16 =	sadd.s32 $0x9040, s31;
	s13 =	rddreg [dreg:$0x7];
	s11 =	sadd.s32 s26, s11  }
0x71: {  	[hbm4b:s11+s10] =	stream.strided.scatter [tilespmem:s16], [sflag:$0x2], $0x400, s24, s10, $0x18;
	[tilespmem:$0x10200] =	vst v63  }
0x72: {  	s11 =	sadd.s32 s8, s13  }
0x73: {  	s11 =	sadd.s32 s2, s11  }
0x74: {  	s11 =	sadd.s32 s0, s11  }
0x75: {  	s11 =	sadd.s32 s9, s11  }
0x76: {  	s14 =	sadd.s32 $0x9450, s31;
	s15 =	rddreg [dreg:$0x8];
	s11 =	sadd.s32 s26, s11  }
0x77: {  	[hbm4b:s11+s10] =	stream.strided.scatter [tilespmem:s14], [sflag:$0x2], $0x400, s24, s10, $0x18;
	[tilespmem:$0x10200] =	vst v63  }
0x78: {  	s11 =	sadd.s32 s8, s15  }
0x79: {  	s11 =	sadd.s32 s2, s11  }
0x7a: {  	s11 =	sadd.s32 s0, s11  }
0x7b: {  	s11 =	sadd.s32 s9, s11  }
0x7c: {  	s16 =	sadd.s32 $0x9860, s31;
	s13 =	rddreg [dreg:$0x9];
	s11 =	sadd.s32 s26, s11  }
0x7d: {  	[hbm4b:s11+s10] =	stream.strided.scatter [tilespmem:s16], [sflag:$0x2], $0x400, s24, s10, $0x18;
	[tilespmem:$0x10200] =	vst v63  }
0x7e: {  	s11 =	sadd.s32 s8, s13  }
0x7f: {  	s11 =	sadd.s32 s2, s11  }
0x80: {  	s11 =	sadd.s32 s0, s11  }
0x81: {  	s11 =	sadd.s32 s9, s11  }
0x82: {  	s14 =	sadd.s32 $0x9C70, s31;
	s15 =	rddreg [dreg:$0xa];
	s11 =	sadd.s32 s26, s11  }
0x83: {  	[hbm4b:s11+s10] =	stream.strided.scatter [tilespmem:s14], [sflag:$0x2], $0x400, s24, s10, $0x18;
	[tilespmem:$0x10200] =	vst v63  }
0x84: {  	s11 =	sadd.s32 s8, s15  }
0x85: {  	s11 =	sadd.s32 s2, s11  }
0x86: {  	s11 =	sadd.s32 s0, s11  }
0x87: {  	s11 =	sadd.s32 s9, s11  }
0x88: {  	s16 =	sadd.s32 $0xA080, s31;
	s13 =	rddreg [dreg:$0xb];
	s11 =	sadd.s32 s26, s11  }
0x89: {  	[hbm4b:s11+s10] =	stream.strided.scatter [tilespmem:s16], [sflag:$0x2], $0x400, s24, s10, $0x18;
	[tilespmem:$0x10200] =	vst v63  }
0x8a: {  	s11 =	sadd.s32 s8, s13  }
0x8b: {  	s11 =	sadd.s32 s2, s11  }
0x8c: {  	s11 =	sadd.s32 s0, s11  }
0x8d: {  	s11 =	sadd.s32 s9, s11  }
0x8e: {  	s14 =	sadd.s32 $0xA490, s31;
	s15 =	sadd.s32 s8, s17;
	s11 =	sadd.s32 s26, s11  }
0x8f: {  	[hbm4b:s11+s10] =	stream.strided.scatter [tilespmem:s14], [sflag:$0x2], $0x400, s24, s10, $0x18;
	[tilespmem:$0x10200] =	vst v63  }
0x90: {  	s11 =	sadd.s32 s2, s15  }
0x91: {  	s11 =	sadd.s32 s0, s11  }
0x92: {  	s11 =	sadd.s32 s9, s11  }
0x93: {  	s16 =	sadd.s32 $0xA8A0, s31;
	s13 =	sadd.s32 s8, s18;
	s11 =	sadd.s32 s26, s11  }
0x94: {  	[hbm4b:s11+s10] =	stream.strided.scatter [tilespmem:s16], [sflag:$0x2], $0x400, s24, s10, $0x18;
	[tilespmem:$0x10200] =	vst v63  }
0x95: {  	s11 =	sadd.s32 s2, s13  }
0x96: {  	s11 =	sadd.s32 s0, s11  }
0x97: {  	s11 =	sadd.s32 s9, s11  }
0x98: {  	s14 =	sadd.s32 $0xACB0, s31;
	s15 =	sadd.s32 s8, s19;
	s11 =	sadd.s32 s26, s11  }
0x99: {  	[hbm4b:s11+s10] =	stream.strided.scatter [tilespmem:s14], [sflag:$0x2], $0x400, s24, s10, $0x18;
	[tilespmem:$0x10200] =	vst v63  }
0x9a: {  	s11 =	sadd.s32 s2, s15  }
0x9b: {  	s11 =	sadd.s32 s0, s11  }
0x9c: {  	s11 =	sadd.s32 s9, s11  }
0x9d: {  	s16 =	sadd.s32 $0xB0C0, s31;
	s13 =	sadd.s32 s8, s20;
	s11 =	sadd.s32 s26, s11  }
0x9e: {  	[hbm4b:s11+s10] =	stream.strided.scatter [tilespmem:s16], [sflag:$0x2], $0x400, s24, s10, $0x18;
	[tilespmem:$0x10200] =	vst v63  }
0x9f: {  	s11 =	sadd.s32 s2, s13  }
0xa0: {  	s11 =	sadd.s32 s0, s11  }
0xa1: {  	s11 =	sadd.s32 s9, s11  }
0xa2: {  	s14 =	sadd.s32 $0xB4D0, s31;
	s15 =	sadd.s32 s8, s21;
	s11 =	sadd.s32 s26, s11  }
0xa3: {  	[hbm4b:s11+s10] =	stream.strided.scatter [tilespmem:s14], [sflag:$0x2], $0x400, s24, s10, $0x18;
	[tilespmem:$0x10200] =	vst v63  }
0xa4: {  	s8 =	sadd.s32 s8, s22;
	s11 =	sadd.s32 s2, s15  }
0xa5: {  	s2 =	sadd.s32 s2, s8;
	s11 =	sadd.s32 s0, s11  }
.Ltmp5:
0xa6: {  	s0 =	sadd.s32 s0, s2;
	s11 =	sadd.s32 s9, s11;
	(pc) =	sbr.rel .LBB1_7-.Ltmp5, $4  }
0xa7: {  	s16 =	sadd.s32 $0xB8E0, s31;
	s0 =	sadd.s32 s9, s0;
	s11 =	sadd.s32 s26, s11  }
0xa8: {  	[hbm4b:s11+s10] =	stream.strided.scatter [tilespmem:s16], [sflag:$0x2], $0x400, s24, s10, $0x18;
	[tilespmem:$0x10200] =	vst v63  }
0xa9: {  	s31 =	sadd.s32 $0xBCF0, s31;
	s0 =	sadd.s32 s26, s0  }
0xaa: {  	[hbm4b:s0+s10] =	stream.strided.scatter [tilespmem:s31], [sflag:$0x2], $0x400, s24, s10, $0x18;
	[tilespmem:$0x10200] =	vst v63  }
.LBB1_8:
0xab: {  	_ =	sfence.sel $0x180000  }
0xac: {  	s0 =	simm.s32 $0x1;
	[bflag:$0x0] =	sbarrier.arrive $0xFFFF  }
0xad: {  	s30 =	simm.s32 $0x2;
	[sflag:s0] =	ssyncpa.u1 $0x1  }
0xae: {  	[sflag:s30] =	ssyncpa.u1 $0x1  }
0xaf: {  	_ =	strace $0x90000047  }
0xb0: {  	s31 =	stileid.u32;
	[bflag:$0x2] =	sbarrier.arrive $0xFFFF  }
0xb1: {  	p0 =	sne.s32 s31, $0x0;
	s0 =	rddreg [dreg:$0x2]  }
0xb2: {  	s0 =	sadd.s32 @!p0 $0x100000, s0  }
0xb3: {  	[sflag:s0] =	ssyncadd.tile.s32 @!p0 $0x1;
	_ =	shalt  }
.Lfunc_end1:
_tile_overlayer_lowered:
.L_overlay_start_2:
0xb4: {  	(tag) =	ssettag $0x2  }
0xb5: {  	s0 =	rddreg [dreg:$0x0];
	s2 =	stileid.u32  }
0xb6: {  	s1 =	rddreg [dreg:$0x1];
	p0 =	sne.s32 s2, $0x0  }
0xb7: {  	s3 =	rddreg [dreg:$0x2];
	[bflag:$0x3] =	sbarrier.arrive $0xFFFF;
	s2 =	simm.s32 @!p0 $0x1C01  }
0xb8: {  	[timem:s3], [sflag:s2] =	dma.local @!p0 [hbm:s0], s1  }
0xb9: {  	s0 =	simm.s32 @!p0 $0x1  }
0xba: {  	_ =	swait.ge @!p0 [sflag:s0], s1  }
0xbb: {  	s1 =	ssub.s32 @!p0 $0x0, s1;
	[sflag:s0] =	ssyncset.done @!p0 $0x0  }
0xbc: {  	[sflag:s0] =	ssyncadd.s32 @!p0 s1  }
0xbd: {  	[bflag:$0x3] =	sbarrier.arrive $0xFFFF  }
0xbe: {  	_ =	shalt  }

</sc_bundles>
